<compile_context>
chip_gen: v7x
topology: tpu7x:2x2x1
jax: 0.10.2.dev20260603
libtpu: 0.0.44.dev20260713+nightly
codegen_flags: <defaults>
</compile_context>

<pallas_src>
import jax
import jax.numpy as jnp
from jax import lax
from jax.experimental import pallas as pl
from jax.experimental.pallas import tpu as pltpu
from jax.experimental.pallas import tpu_sc as plsc

N = 32768
B = 16
E = 262144
D = 128
H = 64
C = 10

SC_NC = 2
SC_NS = 16
SC_L = 16
SC_NW = SC_NC * SC_NS
EPW = E // SC_NW


NBLK = 8192
N_STEPS1 = N // NBLK


def _fil_kernel(x_ref, wf_ref, bf_ref, lo_ref, hi_ref,
                filt_ref, h0_ref, acc_ref):
    pid = pl.program_id(0)
    filt_row = lax.dot_general(wf_ref[...], x_ref[...],
                               (((1,), (1,)), ((), ())),
                               preferred_element_type=jnp.float32)
    filt_row = filt_row + bf_ref[0, 0]
    filt_ref[0] = filt_row
    ones_row = jnp.ones((1, NBLK), jnp.float32)
    lof = jnp.dot(lo_ref[...], ones_row,
                  preferred_element_type=jnp.float32)
    hif = jnp.dot(hi_ref[...], ones_row,
                  preferred_element_type=jnp.float32)
    ids = (jnp.float32(pid * NBLK)
           + lax.broadcasted_iota(jnp.int32, (B, NBLK), 1).astype(jnp.float32))
    onehot = (ids >= lof) & (ids < hif)
    filtb = jnp.broadcast_to(filt_row, (B, NBLK))
    part = jnp.min(jnp.where(onehot, filtb, jnp.inf), axis=1, keepdims=True)

    @pl.when(pid == 0)
    def _():
        acc_ref[...] = part

    @pl.when(pid > 0)
    def _():
        acc_ref[...] = jnp.minimum(acc_ref[...], part)

    @pl.when(pid == N_STEPS1 - 1)
    def _():
        h0_ref[...] = acc_ref[...]


def _run_fil(x, w_fil, b_fil, lo, hi):
    return pl.pallas_call(
        _fil_kernel,
        grid=(N_STEPS1,),
        in_specs=[
            pl.BlockSpec((NBLK, D), lambda i: (i, 0)),
            pl.BlockSpec((1, D), lambda i: (0, 0)),
            pl.BlockSpec((1, 1), lambda i: (0, 0)),
            pl.BlockSpec((B, 1), lambda i: (0, 0)),
            pl.BlockSpec((B, 1), lambda i: (0, 0)),
        ],
        out_specs=[
            pl.BlockSpec((1, 1, NBLK), lambda i: (i, 0, 0)),
            pl.BlockSpec((B, 1), lambda i: (0, 0)),
        ],
        out_shape=[
            jax.ShapeDtypeStruct((N_STEPS1, 1, NBLK), jnp.float32),
            jax.ShapeDtypeStruct((B, 1), jnp.float32),
        ],
        scratch_shapes=[pltpu.VMEM((B, 1), jnp.float32)],
    )(x, w_fil, b_fil, lo, hi)


def _sc_gather_body(filt_hbm, ei_hbm, pairs_hbm,
                    filt_v, src_v, dst_v, birth_v, death_v,
                    sem_f, sem_s, sem_d):
    wid = lax.axis_index("s") * SC_NC + lax.axis_index("c")
    base = wid * EPW
    cf = pltpu.async_copy(filt_hbm, filt_v, sem_f)
    cs = pltpu.async_copy(ei_hbm.at[0, pl.ds(base, EPW)], src_v, sem_s)
    cd = pltpu.async_copy(ei_hbm.at[1, pl.ds(base, EPW)], dst_v, sem_d)
    cf.wait()
    cs.wait()
    cd.wait()

    def body(i):
        off = i * SC_L
        su = src_v[pl.ds(off, SC_L)]
        sv = dst_v[pl.ds(off, SC_L)]
        fu = plsc.load_gather(filt_v, [su])
        fv = plsc.load_gather(filt_v, [sv])
        birth_v[pl.ds(off, SC_L)] = jnp.minimum(fu, fv)
        death_v[pl.ds(off, SC_L)] = jnp.maximum(fu, fv)

    plsc.parallel_loop(0, EPW // SC_L, 1, unroll=8)(body)
    cb = pltpu.async_copy(birth_v, pairs_hbm.at[0, pl.ds(base, EPW)], sem_s)
    cdd = pltpu.async_copy(death_v, pairs_hbm.at[1, pl.ds(base, EPW)], sem_d)
    cb.wait()
    cdd.wait()


def _run_sc_gather(filt, edge_index):
    mesh = plsc.VectorSubcoreMesh(core_axis_name="c", subcore_axis_name="s")
    k = pl.kernel(
        _sc_gather_body,
        out_type=jax.ShapeDtypeStruct((2, E), jnp.float32),
        mesh=mesh,
        compiler_params=pltpu.CompilerParams(needs_layout_passes=False),
        scratch_types=[
            pltpu.VMEM((N,), jnp.float32),
            pltpu.VMEM((EPW,), jnp.int32),
            pltpu.VMEM((EPW,), jnp.int32),
            pltpu.VMEM((EPW,), jnp.float32),
            pltpu.VMEM((EPW,), jnp.float32),
            pltpu.SemaphoreType.DMA,
            pltpu.SemaphoreType.DMA,
            pltpu.SemaphoreType.DMA,
        ],
    )
    return k(filt, edge_index)


EBLK = 32768
N_STEPS3 = E // EBLK


def _seg_kernel(pairs_ref, seg_ref, wpb_ref, h0_ref, wh_ref, bh_ref,
                out_ref, accf_ref, acch1_ref):
    pid = pl.program_id(0)
    bd = pairs_ref[...]
    ones = jnp.ones((1, EBLK), jnp.float32)
    b3 = jnp.concatenate([bd, ones], axis=0)
    feat_t = jnp.maximum(
        jnp.dot(wpb_ref[...], b3, preferred_element_type=jnp.float32), 0.0)
    segrow = seg_ref[0]
    onehot = (jnp.broadcast_to(segrow, (B, EBLK))
              == lax.broadcasted_iota(jnp.int32, (B, EBLK), 0))
    part = lax.dot_general(onehot.astype(jnp.float32), feat_t,
                           (((1,), (1,)), ((), ())),
                           preferred_element_type=jnp.float32)
    ddb = jnp.broadcast_to(bd[1:2, :], (B, EBLK))
    h1p = jnp.max(jnp.where(onehot, ddb, -jnp.inf), axis=1, keepdims=True)

    @pl.when(pid == 0)
    def _():
        accf_ref[...] = part
        acch1_ref[...] = h1p

    @pl.when(pid > 0)
    def _():
        accf_ref[...] = accf_ref[...] + part
        acch1_ref[...] = jnp.maximum(acch1_ref[...], h1p)

    @pl.when(pid == N_STEPS3 - 1)
    def _():
        gf = accf_ref[...]
        h0c = h0_ref[...]
        h1c = acch1_ref[...]
        y = jnp.dot(gf, wh_ref[0:H, :], preferred_element_type=jnp.float32)
        y = y + h0c * wh_ref[H:H + 1, :] + h1c * wh_ref[H + 1:H + 2, :]
        out_ref[...] = y + bh_ref[...]


def _run_seg(pairs, seg2d, wpb, h0, w_head, b_head):
    return pl.pallas_call(
        _seg_kernel,
        grid=(N_STEPS3,),
        in_specs=[
            pl.BlockSpec((2, EBLK), lambda i: (0, i)),
            pl.BlockSpec((1, 1, EBLK), lambda i: (i, 0, 0)),
            pl.BlockSpec((H, 3), lambda i: (0, 0)),
            pl.BlockSpec((B, 1), lambda i: (0, 0)),
            pl.BlockSpec((H + 2, C), lambda i: (0, 0)),
            pl.BlockSpec((1, C), lambda i: (0, 0)),
        ],
        out_specs=pl.BlockSpec((B, C), lambda i: (0, 0)),
        out_shape=jax.ShapeDtypeStruct((B, C), jnp.float32),
        scratch_shapes=[
            pltpu.VMEM((B, H), jnp.float32),
            pltpu.VMEM((B, 1), jnp.float32),
        ],
    )(pairs, seg2d, wpb, h0, w_head, b_head)


@jax.jit
def kernel(x, cu_seqlens, edge_index, edge_segment_ids,
           W_fil, b_fil, W_pair, b_pair, W_head, b_head):
    lo = cu_seqlens[:B].astype(jnp.float32).reshape(B, 1)
    hi = cu_seqlens[1:B + 1].astype(jnp.float32).reshape(B, 1)
    filt3d, h0 = _run_fil(x, W_fil.reshape(1, D), b_fil.reshape(1, 1), lo, hi)
    filt = filt3d.reshape(N)
    pairs = _run_sc_gather(filt, edge_index)
    wpb = jnp.concatenate([W_pair.T, b_pair.reshape(H, 1)], axis=1)
    y = _run_seg(pairs, edge_segment_ids.reshape(N_STEPS3, 1, EBLK),
                 wpb, h0, W_head, b_head.reshape(1, C))
    return y

# --- scband reference (transcript-rebuilt; emitter-appended) ---
"""Pipeline reference for scband-pershom-base-51531017617852 (READ-ONLY COPY).

The authoritative reference and input builder live on the scoring server;
editing this copy changes nothing except your own understanding.
"""

import jax, jax.numpy as jnp
import numpy as np

N = 32768   # total nodes across the batch (ragged)
B = 16      # number of graphs in batch
E = 262144  # total edges across the batch
D = 128     # node feature dim (input to filtration function)
H = 64      # hidden dim of barcode vectorization (cls)
C = 10      # number of classes


def setup_inputs(seed: int = 0) -> dict:
    key = jax.random.key(seed)
    ks = jax.random.split(key, 10)
    x = jax.random.normal(ks[0], (N, D), dtype=jnp.float32)
    # strictly increasing ragged offsets with pinned endpoints (sample_pos analogue)
    cu_mid = jnp.sort(jax.random.randint(ks[1], (B - 1,), 0, N - B)) + jnp.arange(1, B)
    cu_seqlens = jnp.concatenate([jnp.array([0]), cu_mid, jnp.array([N])]).astype(jnp.int32)
    edge_index = jax.random.randint(ks[2], (2, E), 0, N, dtype=jnp.int32)
    edge_segment_ids = jnp.sort(jax.random.randint(ks[3], (E,), 0, B, dtype=jnp.int32))
    # learned params: fil (linear node filtration), cls (barcode vectorization + head)
    W_fil = jax.random.normal(ks[4], (D, 1), dtype=jnp.float32) * 0.05
    b_fil = jnp.zeros((1,), dtype=jnp.float32)
    W_pair = jax.random.normal(ks[5], (2, H), dtype=jnp.float32) * 0.1
    b_pair = jnp.zeros((H,), dtype=jnp.float32)
    W_head = jax.random.normal(ks[6], (H + 2, C), dtype=jnp.float32) * 0.1
    b_head = jnp.zeros((C,), dtype=jnp.float32)
    return {"x": x, "cu_seqlens": cu_seqlens, "edge_index": edge_index,
            "edge_segment_ids": edge_segment_ids, "W_fil": W_fil, "b_fil": b_fil,
            "W_pair": W_pair, "b_pair": b_pair, "W_head": W_head, "b_head": b_head}


def reference(x, cu_seqlens, edge_index, edge_segment_ids,
              W_fil, b_fil, W_pair, b_pair, W_head, b_head):
    # fil: per-node scalar vertex filtration over the ragged batch
    node_filt = (x @ W_fil + b_fil)[:, 0]                       # [N]
    # map each node to its graph via sample_pos offsets
    node_seg = jnp.searchsorted(cu_seqlens[1:], jnp.arange(N), side='right')
    # per-edge (birth, death) pairs from vertex filtration (sublevel set):
    # an edge enters the filtration at max endpoint value; lower-star pairing surrogate
    src = edge_index[0]
    dst = edge_index[1]
    f_u = jnp.take(node_filt, src)                               # gather [E]
    f_v = jnp.take(node_filt, dst)                               # gather [E]
    birth = jnp.minimum(f_u, f_v)
    death = jnp.maximum(f_u, f_v)
    pairs = jnp.stack([birth, death], axis=-1)                   # h_0 pairs [E, 2]
    # essential classes: h_0 essential = min filtration per graph,
    # h_1 essential surrogate = max edge entry value per graph
    h0_ess = jax.ops.segment_min(node_filt, node_seg, num_segments=B)       # [B]
    h1_ess = jax.ops.segment_max(death, edge_segment_ids, num_segments=B)   # [B]
    # cls: DeepSets vectorization of barcodes per graph + linear head
    pair_feat = jax.nn.relu(pairs @ W_pair + b_pair)             # [E, H]
    graph_feat = jax.ops.segment_sum(pair_feat, edge_segment_ids, num_segments=B)  # [B, H]
    feat = jnp.concatenate([graph_feat, h0_ess[:, None], h1_ess[:, None]], axis=1)  # [B, H+2]
    y_hat = feat @ W_head + b_head                               # [B, C]
    return y_hat

if __name__ == "__main__":
    import jax
    _d = setup_inputs()
    print(jax.jit(kernel)(*tuple(_d.values())))

</pallas_src>

<mosaic_0001>
#map = affine_map<(d0, d1) -> (0)>
#map1 = affine_map<(d0, d1) -> (0, 0)>
module attributes {stable_mosaic.version = 14 : i64} {
  func.func @_sc_gather_body(%arg0: i32, %arg1: i32, %arg2: memref<32768xf32, #tpu.memory_space<hbm>>, %arg3: memref<2x262144xi32, #tpu.memory_space<hbm>>, %arg4: memref<2x262144xf32, #tpu.memory_space<hbm>>, %arg5: memref<32768xf32, #tpu.memory_space<vmem>>, %arg6: memref<8192xi32, #tpu.memory_space<vmem>>, %arg7: memref<8192xi32, #tpu.memory_space<vmem>>, %arg8: memref<8192xf32, #tpu.memory_space<vmem>>, %arg9: memref<8192xf32, #tpu.memory_space<vmem>>, %arg10: memref<!tpu.dma_semaphore, #tpu.memory_space<semaphore_mem>>, %arg11: memref<!tpu.dma_semaphore, #tpu.memory_space<semaphore_mem>>, %arg12: memref<!tpu.dma_semaphore, #tpu.memory_space<semaphore_mem>>) attributes {dimension_semantics = [#tpu.dimension_semantics<core_parallel>, #tpu.dimension_semantics<subcore_parallel>], iteration_bounds = array<i64: 2, 16>, scalar_prefetch = 0 : i64, scratch_operands = 8 : i64, tpu.core_type = #tpu.core_type<sc_vector_subcore>, window_params = [{transform_indices = #map}, {transform_indices = #map1}, {transform_indices = #map1}]} {
    %mul3A = arith.constant 2 : i32
    %mul3A_0 = arith.muli %arg1, %mul3A : i32
    %add3A = arith.addi %mul3A_0, %arg0 : i32
    %mul3A_1 = arith.constant 8192 : i32
    %mul3A_2 = arith.muli %add3A, %mul3A_1 : i32
    tpu.enqueue_dma source(%arg2 : memref<32768xf32, #tpu.memory_space<hbm>>) target(%arg5 : memref<32768xf32, #tpu.memory_space<vmem>>) target_semaphore(%arg10 : memref<!tpu.dma_semaphore, #tpu.memory_space<semaphore_mem>>)
    %dma_start3A = arith.constant 0 : i32
    %dma_start3A_3 = tpu.memref_slice %arg3[%dma_start3A, %mul3A_2] : memref<2x262144xi32, #tpu.memory_space<hbm>> -> memref<1x8192xi32, #tpu.memory_space<hbm>>
    %dma_start3A_4 = tpu.memref_squeeze %dma_start3A_3 : memref<1x8192xi32, #tpu.memory_space<hbm>> -> memref<8192xi32, #tpu.memory_space<hbm>>
    %dma_start3A_5 = tpu.memref_slice %arg3[%dma_start3A, %mul3A_2] : memref<2x262144xi32, #tpu.memory_space<hbm>> -> memref<1x8192xi32, #tpu.memory_space<hbm>>
    %dma_start3A_6 = tpu.memref_squeeze %dma_start3A_5 : memref<1x8192xi32, #tpu.memory_space<hbm>> -> memref<8192xi32, #tpu.memory_space<hbm>>
    tpu.enqueue_dma source(%dma_start3A_6 : memref<8192xi32, #tpu.memory_space<hbm>>) target(%arg6 : memref<8192xi32, #tpu.memory_space<vmem>>) target_semaphore(%arg11 : memref<!tpu.dma_semaphore, #tpu.memory_space<semaphore_mem>>)
    %dma_start3A_7 = arith.constant 1 : i32
    %dma_start3A_8 = tpu.memref_slice %arg3[%dma_start3A_7, %mul3A_2] : memref<2x262144xi32, #tpu.memory_space<hbm>> -> memref<1x8192xi32, #tpu.memory_space<hbm>>
    %dma_start3A_9 = tpu.memref_squeeze %dma_start3A_8 : memref<1x8192xi32, #tpu.memory_space<hbm>> -> memref<8192xi32, #tpu.memory_space<hbm>>
    %dma_start3A_10 = tpu.memref_slice %arg3[%dma_start3A_7, %mul3A_2] : memref<2x262144xi32, #tpu.memory_space<hbm>> -> memref<1x8192xi32, #tpu.memory_space<hbm>>
    %dma_start3A_11 = tpu.memref_squeeze %dma_start3A_10 : memref<1x8192xi32, #tpu.memory_space<hbm>> -> memref<8192xi32, #tpu.memory_space<hbm>>
    tpu.enqueue_dma source(%dma_start3A_11 : memref<8192xi32, #tpu.memory_space<hbm>>) target(%arg7 : memref<8192xi32, #tpu.memory_space<vmem>>) target_semaphore(%arg12 : memref<!tpu.dma_semaphore, #tpu.memory_space<semaphore_mem>>)
    tpu.wait_dma2 semaphore(%arg10 : memref<!tpu.dma_semaphore, #tpu.memory_space<semaphore_mem>>) src(%arg2 : memref<32768xf32, #tpu.memory_space<hbm>>) dst(%arg5 : memref<32768xf32, #tpu.memory_space<vmem>>)
    %dma_wait3A = arith.constant 0 : i32
    %dma_wait3A_12 = tpu.memref_slice %arg3[%dma_wait3A, %mul3A_2] : memref<2x262144xi32, #tpu.memory_space<hbm>> -> memref<1x8192xi32, #tpu.memory_space<hbm>>
    %dma_wait3A_13 = tpu.memref_squeeze %dma_wait3A_12 : memref<1x8192xi32, #tpu.memory_space<hbm>> -> memref<8192xi32, #tpu.memory_space<hbm>>
    %dma_wait3A_14 = tpu.memref_slice %arg3[%dma_wait3A, %mul3A_2] : memref<2x262144xi32, #tpu.memory_space<hbm>> -> memref<1x8192xi32, #tpu.memory_space<hbm>>
    %dma_wait3A_15 = tpu.memref_squeeze %dma_wait3A_14 : memref<1x8192xi32, #tpu.memory_space<hbm>> -> memref<8192xi32, #tpu.memory_space<hbm>>
    tpu.wait_dma2 semaphore(%arg11 : memref<!tpu.dma_semaphore, #tpu.memory_space<semaphore_mem>>) src(%dma_wait3A_15 : memref<8192xi32, #tpu.memory_space<hbm>>) dst(%arg6 : memref<8192xi32, #tpu.memory_space<vmem>>)
    %dma_wait3A_16 = arith.constant 1 : i32
    %dma_wait3A_17 = tpu.memref_slice %arg3[%dma_wait3A_16, %mul3A_2] : memref<2x262144xi32, #tpu.memory_space<hbm>> -> memref<1x8192xi32, #tpu.memory_space<hbm>>
    %dma_wait3A_18 = tpu.memref_squeeze %dma_wait3A_17 : memref<1x8192xi32, #tpu.memory_space<hbm>> -> memref<8192xi32, #tpu.memory_space<hbm>>
    %dma_wait3A_19 = tpu.memref_slice %arg3[%dma_wait3A_16, %mul3A_2] : memref<2x262144xi32, #tpu.memory_space<hbm>> -> memref<1x8192xi32, #tpu.memory_space<hbm>>
    %dma_wait3A_20 = tpu.memref_squeeze %dma_wait3A_19 : memref<1x8192xi32, #tpu.memory_space<hbm>> -> memref<8192xi32, #tpu.memory_space<hbm>>
    tpu.wait_dma2 semaphore(%arg12 : memref<!tpu.dma_semaphore, #tpu.memory_space<semaphore_mem>>) src(%dma_wait3A_20 : memref<8192xi32, #tpu.memory_space<hbm>>) dst(%arg7 : memref<8192xi32, #tpu.memory_space<vmem>>)
    %parallel_loop3A = arith.constant 0 : i32
    %parallel_loop3A_21 = arith.constant 512 : i32
    %parallel_loop3A_22 = arith.constant 1 : i32
    scf.for %parallel_loop3A_43 = %parallel_loop3A to %parallel_loop3A_21 step %parallel_loop3A_22  : i32 {
      %parallel_loop3A_44 = arith.constant 16 : i32
      %parallel_loop3A_45 = arith.muli %parallel_loop3A_43, %parallel_loop3A_44 : i32
      %parallel_loop3A_46 = arith.index_cast %parallel_loop3A_45 : i32 to index
      %parallel_loop3A_47 = tpu.vector_load %arg6[%parallel_loop3A_46] {strides = array<i32>} : memref<8192xi32, #tpu.memory_space<vmem>>, vector<16xi32>,
      %parallel_loop3A_48 = arith.index_cast %parallel_loop3A_45 : i32 to index
      %parallel_loop3A_49 = tpu.vector_load %arg7[%parallel_loop3A_48] {strides = array<i32>} : memref<8192xi32, #tpu.memory_space<vmem>>, vector<16xi32>,
      %parallel_loop3A_50 = tpu.vector_load_idx %arg5[%parallel_loop3A_47] : memref<32768xf32, #tpu.memory_space<vmem>>[vector<16xi32>], vector<16xf32>,
      %parallel_loop3A_51 = tpu.vector_load_idx %arg5[%parallel_loop3A_49] : memref<32768xf32, #tpu.memory_space<vmem>>[vector<16xi32>], vector<16xf32>,
      %parallel_loop3A_52 = arith.minimumf %parallel_loop3A_50, %parallel_loop3A_51 : vector<16xf32>
      %parallel_loop3A_53 = arith.index_cast %parallel_loop3A_45 : i32 to index
      %parallel_loop3A_54 = tpu.vector_load %arg8[%parallel_loop3A_53] {strides = array<i32>} : memref<8192xf32, #tpu.memory_space<vmem>>, vector<16xf32>,
      tpu.vector_store %arg8[%parallel_loop3A_53], %parallel_loop3A_52 {strides = array<i32>} : memref<8192xf32, #tpu.memory_space<vmem>>, vector<16xf32>,
      %parallel_loop3A_55 = arith.maximumf %parallel_loop3A_50, %parallel_loop3A_51 : vector<16xf32>
      %parallel_loop3A_56 = arith.index_cast %parallel_loop3A_45 : i32 to index
      %parallel_loop3A_57 = tpu.vector_load %arg9[%parallel_loop3A_56] {strides = array<i32>} : memref<8192xf32, #tpu.memory_space<vmem>>, vector<16xf32>,
      tpu.vector_store %arg9[%parallel_loop3A_56], %parallel_loop3A_55 {strides = array<i32>} : memref<8192xf32, #tpu.memory_space<vmem>>, vector<16xf32>,
    } {sc.loop_unroll_factor = 8 : i64, sc.parallel_access}
    %dma_start3A_23 = arith.constant 0 : i32
    %dma_start3A_24 = tpu.memref_slice %arg4[%dma_start3A_23, %mul3A_2] : memref<2x262144xf32, #tpu.memory_space<hbm>> -> memref<1x8192xf32, #tpu.memory_space<hbm>>
    %dma_start3A_25 = tpu.memref_squeeze %dma_start3A_24 : memref<1x8192xf32, #tpu.memory_space<hbm>> -> memref<8192xf32, #tpu.memory_space<hbm>>
    %dma_start3A_26 = tpu.memref_slice %arg4[%dma_start3A_23, %mul3A_2] : memref<2x262144xf32, #tpu.memory_space<hbm>> -> memref<1x8192xf32, #tpu.memory_space<hbm>>
    %dma_start3A_27 = tpu.memref_squeeze %dma_start3A_26 : memref<1x8192xf32, #tpu.memory_space<hbm>> -> memref<8192xf32, #tpu.memory_space<hbm>>
    tpu.enqueue_dma source(%arg8 : memref<8192xf32, #tpu.memory_space<vmem>>) target(%dma_start3A_27 : memref<8192xf32, #tpu.memory_space<hbm>>) target_semaphore(%arg11 : memref<!tpu.dma_semaphore, #tpu.memory_space<semaphore_mem>>)
    %dma_start3A_28 = arith.constant 1 : i32
    %dma_start3A_29 = tpu.memref_slice %arg4[%dma_start3A_28, %mul3A_2] : memref<2x262144xf32, #tpu.memory_space<hbm>> -> memref<1x8192xf32, #tpu.memory_space<hbm>>
    %dma_start3A_30 = tpu.memref_squeeze %dma_start3A_29 : memref<1x8192xf32, #tpu.memory_space<hbm>> -> memref<8192xf32, #tpu.memory_space<hbm>>
    %dma_start3A_31 = tpu.memref_slice %arg4[%dma_start3A_28, %mul3A_2] : memref<2x262144xf32, #tpu.memory_space<hbm>> -> memref<1x8192xf32, #tpu.memory_space<hbm>>
    %dma_start3A_32 = tpu.memref_squeeze %dma_start3A_31 : memref<1x8192xf32, #tpu.memory_space<hbm>> -> memref<8192xf32, #tpu.memory_space<hbm>>
    tpu.enqueue_dma source(%arg9 : memref<8192xf32, #tpu.memory_space<vmem>>) target(%dma_start3A_32 : memref<8192xf32, #tpu.memory_space<hbm>>) target_semaphore(%arg12 : memref<!tpu.dma_semaphore, #tpu.memory_space<semaphore_mem>>)
    %dma_wait3A_33 = arith.constant 0 : i32
    %dma_wait3A_34 = tpu.memref_slice %arg4[%dma_wait3A_33, %mul3A_2] : memref<2x262144xf32, #tpu.memory_space<hbm>> -> memref<1x8192xf32, #tpu.memory_space<hbm>>
    %dma_wait3A_35 = tpu.memref_squeeze %dma_wait3A_34 : memref<1x8192xf32, #tpu.memory_space<hbm>> -> memref<8192xf32, #tpu.memory_space<hbm>>
    %dma_wait3A_36 = tpu.memref_slice %arg4[%dma_wait3A_33, %mul3A_2] : memref<2x262144xf32, #tpu.memory_space<hbm>> -> memref<1x8192xf32, #tpu.memory_space<hbm>>
    %dma_wait3A_37 = tpu.memref_squeeze %dma_wait3A_36 : memref<1x8192xf32, #tpu.memory_space<hbm>> -> memref<8192xf32, #tpu.memory_space<hbm>>
    tpu.wait_dma2 semaphore(%arg11 : memref<!tpu.dma_semaphore, #tpu.memory_space<semaphore_mem>>) src(%arg8 : memref<8192xf32, #tpu.memory_space<vmem>>) dst(%dma_wait3A_37 : memref<8192xf32, #tpu.memory_space<hbm>>)
    %dma_wait3A_38 = arith.constant 1 : i32
    %dma_wait3A_39 = tpu.memref_slice %arg4[%dma_wait3A_38, %mul3A_2] : memref<2x262144xf32, #tpu.memory_space<hbm>> -> memref<1x8192xf32, #tpu.memory_space<hbm>>
    %dma_wait3A_40 = tpu.memref_squeeze %dma_wait3A_39 : memref<1x8192xf32, #tpu.memory_space<hbm>> -> memref<8192xf32, #tpu.memory_space<hbm>>
    %dma_wait3A_41 = tpu.memref_slice %arg4[%dma_wait3A_38, %mul3A_2] : memref<2x262144xf32, #tpu.memory_space<hbm>> -> memref<1x8192xf32, #tpu.memory_space<hbm>>
    %dma_wait3A_42 = tpu.memref_squeeze %dma_wait3A_41 : memref<1x8192xf32, #tpu.memory_space<hbm>> -> memref<8192xf32, #tpu.memory_space<hbm>>
    tpu.wait_dma2 semaphore(%arg12 : memref<!tpu.dma_semaphore, #tpu.memory_space<semaphore_mem>>) src(%arg9 : memref<8192xf32, #tpu.memory_space<vmem>>) dst(%dma_wait3A_42 : memref<8192xf32, #tpu.memory_space<hbm>>)
    return
  }
}

module attributes {stable_mosaic.version = 14 : i64} {
  func.func @_fil_kernel(%arg0: i32, %arg1: memref<8192x128xf32, #tpu.memory_space<vmem>>, %arg2: memref<1x128xf32, #tpu.memory_space<vmem>>, %arg3: memref<1x1xf32, #tpu.memory_space<vmem>>, %arg4: memref<16x1xf32, #tpu.memory_space<vmem>>, %arg5: memref<16x1xf32, #tpu.memory_space<vmem>>, %arg6: memref<1x1x8192xf32, #tpu.memory_space<vmem>>, %arg7: memref<16x1xf32, #tpu.memory_space<vmem>>, %arg8: memref<16x1xf32, #tpu.memory_space<vmem>>) attributes {dimension_semantics = [#tpu.dimension_semantics<arbitrary>], iteration_bounds = array<i64: 4>, scalar_prefetch = 0 : i64, scratch_operands = 1 : i64, tpu.core_type = #tpu.core_type<tc>, window_params = [{transform_indices = @transform_0, window_bounds = array<i64: 8192, 128>}, {pipeline_mode = #tpu.pipeline_mode<synchronous>, transform_indices = @transform_1, window_bounds = array<i64: 1, 128>}, {pipeline_mode = #tpu.pipeline_mode<synchronous>, transform_indices = @transform_2, window_bounds = array<i64: 1, 1>}, {pipeline_mode = #tpu.pipeline_mode<synchronous>, transform_indices = @transform_3, window_bounds = array<i64: 16, 1>}, {pipeline_mode = #tpu.pipeline_mode<synchronous>, transform_indices = @transform_4, window_bounds = array<i64: 16, 1>}, {transform_indices = @transform_5, window_bounds = array<i64: 1, 1, 8192>}, {pipeline_mode = #tpu.pipeline_mode<synchronous>, transform_indices = @transform_6, window_bounds = array<i64: 16, 1>}]} {
    %get3A = arith.constant 0 : index
    %get3A_0 = arith.constant 0 : index
    %get3A_1 = vector.load %arg2[%get3A, %get3A_0] : memref<1x128xf32, #tpu.memory_space<vmem>>, vector<1x128xf32>
    %get3A_2 = arith.constant 0 : index
    %get3A_3 = arith.constant 0 : index
    %get3A_4 = vector.load %arg1[%get3A_2, %get3A_3] : memref<8192x128xf32, #tpu.memory_space<vmem>>, vector<8192x128xf32>
    %dot_general3A = arith.constant dense<0.000000e+00> : vector<1x8192xf32>
    %dot_general3A_5 = tpu.matmul %get3A_1, %get3A_4, %dot_general3A {dimension_numbers = #tpu.dot_dimension_numbers<[1], [1], [0], [0], [0, 0, 1, 0], [], []>, transpose_lhs_hint = false} : vector<1x128xf32>, vector<8192x128xf32>, vector<1x8192xf32> -> vector<1x8192xf32>
    %get3A_6 = arith.constant 0 : index
    %get3A_7 = arith.constant 0 : index
    %get3A_8 = vector.load %arg3[%get3A_6, %get3A_7] : memref<1x1xf32, #tpu.memory_space<vmem>>, vector<1x1xf32>
    %get3A_9 = vector.extract %get3A_8[0, 0] : f32 from vector<1x1xf32>
    %add3A = vector.broadcast %get3A_9 : f32 to vector<1x8192xf32>
    %add3A_10 = arith.addf %dot_general3A_5, %add3A : vector<1x8192xf32>
    %swap3A = arith.constant 0 : index
    %swap3A_11 = arith.constant 0 : index
    %swap3A_12 = arith.constant 0 : index
    %swap3A_13 = vector.load %arg6[%swap3A, %swap3A_11, %swap3A_12] : memref<1x1x8192xf32, #tpu.memory_space<vmem>>, vector<1x1x8192xf32>
    %swap3A_14 = vector.shape_cast %swap3A_13 : vector<1x1x8192xf32> to vector<1x8192xf32>
    %swap3A_15 = vector.shape_cast %add3A_10 : vector<1x8192xf32> to vector<1x1x8192xf32>
    tpu.vector_store %arg6[%swap3A, %swap3A_11, %swap3A_12], %swap3A_15 {strides = array<i32>} : memref<1x1x8192xf32, #tpu.memory_space<vmem>>, vector<1x1x8192xf32>,
    %broadcast_in_dim3A = arith.constant 1.000000e+00 : f32
    %broadcast_in_dim3A_16 = vector.broadcast %broadcast_in_dim3A : f32 to vector<1x8192xf32>
    %get3A_17 = arith.constant 0 : index
    %get3A_18 = arith.constant 0 : index
    %get3A_19 = vector.load %arg4[%get3A_17, %get3A_18] : memref<16x1xf32, #tpu.memory_space<vmem>>, vector<16x1xf32>
    %dot_general3A_20 = arith.constant dense<0.000000e+00> : vector<16x8192xf32>
    %dot_general3A_21 = tpu.matmul %get3A_19, %broadcast_in_dim3A_16, %dot_general3A_20 {dimension_numbers = #tpu.dot_dimension_numbers<[1], [0], [0], [1], [0, 0, 1, 1], [], []>, transpose_lhs_hint = false} : vector<16x1xf32>, vector<1x8192xf32>, vector<16x8192xf32> -> vector<16x8192xf32>
    %get3A_22 = arith.constant 0 : index
    %get3A_23 = arith.constant 0 : index
    %get3A_24 = vector.load %arg5[%get3A_22, %get3A_23] : memref<16x1xf32, #tpu.memory_space<vmem>>, vector<16x1xf32>
    %dot_general3A_25 = arith.constant dense<0.000000e+00> : vector<16x8192xf32>
    %dot_general3A_26 = tpu.matmul %get3A_24, %broadcast_in_dim3A_16, %dot_general3A_25 {dimension_numbers = #tpu.dot_dimension_numbers<[1], [0], [0], [1], [0, 0, 1, 1], [], []>, transpose_lhs_hint = false} : vector<16x1xf32>, vector<1x8192xf32>, vector<16x8192xf32> -> vector<16x8192xf32>
    %mul3A = arith.constant 8192 : i32
    %mul3A_27 = arith.muli %arg0, %mul3A : i32
    %convert_element_type3A = arith.sitofp %mul3A_27 : i32 to f32
    %iota3A = tpu.iota {dimensions = array<i32: 1>} : vector<16x8192xi32>
    %convert_element_type3A_28 = arith.sitofp %iota3A : vector<16x8192xi32> to vector<16x8192xf32>
    %add3A_29 = vector.broadcast %convert_element_type3A : f32 to vector<16x8192xf32>
    %add3A_30 = arith.addf %add3A_29, %convert_element_type3A_28 : vector<16x8192xf32>
    %ge3A = arith.cmpf oge, %add3A_30, %dot_general3A_21 : vector<16x8192xf32>
    %lt3A = arith.cmpf olt, %add3A_30, %dot_general3A_26 : vector<16x8192xf32>
    %and3A = arith.andi %ge3A, %lt3A : vector<16x8192xi1>
    %broadcast_in_dim3A_31 = vector.shape_cast %add3A_10 : vector<1x8192xf32> to vector<1x8192xf32>
    %broadcast_in_dim3A_32 = vector.broadcast %broadcast_in_dim3A_31 : vector<1x8192xf32> to vector<16x8192xf32>
    %jit3A = arith.constant 0x7F800000 : f32
    %broadcast_in_dim3A_33 = vector.broadcast %jit3A : f32 to vector<16x8192xf32>
    %select_n3A = arith.select %and3A, %broadcast_in_dim3A_32, %broadcast_in_dim3A_33 : vector<16x8192xi1>, vector<16x8192xf32>
    %reduce_min3A = arith.constant dense<0x7F800000> : vector<16xf32>
    %reduce_min3A_34 = vector.multi_reduction <minimumf>, %select_n3A, %reduce_min3A [1] : vector<16x8192xf32> to vector<16xf32>
    %broadcast_in_dim3A_35 = vector.shape_cast %reduce_min3A_34 : vector<16xf32> to vector<16x1xf32>
    %eq3A = arith.constant 0 : i32
    %eq3A_36 = arith.cmpi eq, %arg0, %eq3A : i32
    %convert_element_type3A_37 = arith.extui %eq3A_36 : i1 to i32
    %cond3A = arith.constant 0 : i32
    %cond3A_38 = arith.cmpi ne, %convert_element_type3A_37, %cond3A : i32
    scf.if %cond3A_38 {
      %swap3A_48 = arith.constant 0 : index
      %swap3A_49 = arith.constant 0 : index
      %swap3A_50 = vector.load %arg8[%swap3A_48, %swap3A_49] : memref<16x1xf32, #tpu.memory_space<vmem>>, vector<16x1xf32>
      tpu.vector_store %arg8[%swap3A_48, %swap3A_49], %broadcast_in_dim3A_35 {strides = array<i32>} : memref<16x1xf32, #tpu.memory_space<vmem>>, vector<16x1xf32>,
    } else {
    }
    %gt3A = arith.constant 0 : i32
    %gt3A_39 = arith.cmpi sgt, %arg0, %gt3A : i32
    %convert_element_type3A_40 = arith.extui %gt3A_39 : i1 to i32
    %cond3A_41 = arith.constant 0 : i32
    %cond3A_42 = arith.cmpi ne, %convert_element_type3A_40, %cond3A_41 : i32
    scf.if %cond3A_42 {
      %get3A_48 = arith.constant 0 : index
      %get3A_49 = arith.constant 0 : index
      %get3A_50 = vector.load %arg8[%get3A_48, %get3A_49] : memref<16x1xf32, #tpu.memory_space<vmem>>, vector<16x1xf32>
      %min3A = arith.minimumf %get3A_50, %broadcast_in_dim3A_35 : vector<16x1xf32>
      %swap3A_51 = arith.constant 0 : index
      %swap3A_52 = arith.constant 0 : index
      %swap3A_53 = vector.load %arg8[%swap3A_51, %swap3A_52] : memref<16x1xf32, #tpu.memory_space<vmem>>, vector<16x1xf32>
      tpu.vector_store %arg8[%swap3A_51, %swap3A_52], %min3A {strides = array<i32>} : memref<16x1xf32, #tpu.memory_space<vmem>>, vector<16x1xf32>,
    } else {
    }
    %eq3A_43 = arith.constant 3 : i32
    %eq3A_44 = arith.cmpi eq, %arg0, %eq3A_43 : i32
    %convert_element_type3A_45 = arith.extui %eq3A_44 : i1 to i32
    %cond3A_46 = arith.constant 0 : i32
    %cond3A_47 = arith.cmpi ne, %convert_element_type3A_45, %cond3A_46 : i32
    scf.if %cond3A_47 {
      %get3A_48 = arith.constant 0 : index
      %get3A_49 = arith.constant 0 : index
      %get3A_50 = vector.load %arg8[%get3A_48, %get3A_49] : memref<16x1xf32, #tpu.memory_space<vmem>>, vector<16x1xf32>
      %swap3A_51 = arith.constant 0 : index
      %swap3A_52 = arith.constant 0 : index
      %swap3A_53 = vector.load %arg7[%swap3A_51, %swap3A_52] : memref<16x1xf32, #tpu.memory_space<vmem>>, vector<16x1xf32>
      tpu.vector_store %arg7[%swap3A_51, %swap3A_52], %get3A_50 {strides = array<i32>} : memref<16x1xf32, #tpu.memory_space<vmem>>, vector<16x1xf32>,
    } else {
    }
    return
  }
  func.func @transform_0(%arg0: i32) -> (i32, i32) {
    %c0_i32 = arith.constant 0 : i32
    %c0_i32_0 = arith.constant 0 : i32
    return %arg0, %c0_i32 : i32, i32
  }
  func.func @transform_1(%arg0: i32) -> (i32, i32) {
    %c0_i32 = arith.constant 0 : i32
    %c0_i32_0 = arith.constant 0 : i32
    %c0_i32_1 = arith.constant 0 : i32
    return %c0_i32, %c0_i32_0 : i32, i32
  }
  func.func @transform_2(%arg0: i32) -> (i32, i32) {
    %c0_i32 = arith.constant 0 : i32
    %c0_i32_0 = arith.constant 0 : i32
    %c0_i32_1 = arith.constant 0 : i32
    return %c0_i32, %c0_i32_0 : i32, i32
  }
  func.func @transform_3(%arg0: i32) -> (i32, i32) {
    %c0_i32 = arith.constant 0 : i32
    %c0_i32_0 = arith.constant 0 : i32
    %c0_i32_1 = arith.constant 0 : i32
    return %c0_i32, %c0_i32_0 : i32, i32
  }
  func.func @transform_4(%arg0: i32) -> (i32, i32) {
    %c0_i32 = arith.constant 0 : i32
    %c0_i32_0 = arith.constant 0 : i32
    %c0_i32_1 = arith.constant 0 : i32
    return %c0_i32, %c0_i32_0 : i32, i32
  }
  func.func @transform_5(%arg0: i32) -> (i32, i32, i32) {
    %c0_i32 = arith.constant 0 : i32
    %c0_i32_0 = arith.constant 0 : i32
    %c0_i32_1 = arith.constant 0 : i32
    return %arg0, %c0_i32, %c0_i32_0 : i32, i32, i32
  }
  func.func @transform_6(%arg0: i32) -> (i32, i32) {
    %c0_i32 = arith.constant 0 : i32
    %c0_i32_0 = arith.constant 0 : i32
    %c0_i32_1 = arith.constant 0 : i32
    return %c0_i32, %c0_i32_0 : i32, i32
  }
}

module attributes {stable_mosaic.version = 14 : i64} {
  func.func @_seg_kernel(%arg0: i32, %arg1: memref<2x32768xf32, #tpu.memory_space<vmem>>, %arg2: memref<1x1x32768xi32, #tpu.memory_space<vmem>>, %arg3: memref<64x3xf32, #tpu.memory_space<vmem>>, %arg4: memref<16x1xf32, #tpu.memory_space<vmem>>, %arg5: memref<66x10xf32, #tpu.memory_space<vmem>>, %arg6: memref<1x10xf32, #tpu.memory_space<vmem>>, %arg7: memref<16x10xf32, #tpu.memory_space<vmem>>, %arg8: memref<16x64xf32, #tpu.memory_space<vmem>>, %arg9: memref<16x1xf32, #tpu.memory_space<vmem>>) attributes {dimension_semantics = [#tpu.dimension_semantics<arbitrary>], iteration_bounds = array<i64: 8>, scalar_prefetch = 0 : i64, scratch_operands = 2 : i64, tpu.core_type = #tpu.core_type<tc>, window_params = [{transform_indices = @transform_0, window_bounds = array<i64: 2, 32768>}, {transform_indices = @transform_1, window_bounds = array<i64: 1, 1, 32768>}, {pipeline_mode = #tpu.pipeline_mode<synchronous>, transform_indices = @transform_2, window_bounds = array<i64: 64, 3>}, {pipeline_mode = #tpu.pipeline_mode<synchronous>, transform_indices = @transform_3, window_bounds = array<i64: 16, 1>}, {pipeline_mode = #tpu.pipeline_mode<synchronous>, transform_indices = @transform_4, window_bounds = array<i64: 66, 10>}, {pipeline_mode = #tpu.pipeline_mode<synchronous>, transform_indices = @transform_5, window_bounds = array<i64: 1, 10>}, {pipeline_mode = #tpu.pipeline_mode<synchronous>, transform_indices = @transform_6, window_bounds = array<i64: 16, 10>}]} {
    %get3A = arith.constant 0 : index
    %get3A_0 = arith.constant 0 : index
    %get3A_1 = vector.load %arg1[%get3A, %get3A_0] : memref<2x32768xf32, #tpu.memory_space<vmem>>, vector<2x32768xf32>
    %broadcast_in_dim3A = arith.constant 1.000000e+00 : f32
    %broadcast_in_dim3A_2 = vector.broadcast %broadcast_in_dim3A : f32 to vector<1x32768xf32>
    %concatenate3A = tpu.concatenate %get3A_1, %broadcast_in_dim3A_2 in 0 : vector<2x32768xf32>, vector<1x32768xf32> -> vector<3x32768xf32>
    %get3A_3 = arith.constant 0 : index
    %get3A_4 = arith.constant 0 : index
    %get3A_5 = vector.load %arg3[%get3A_3, %get3A_4] : memref<64x3xf32, #tpu.memory_space<vmem>>, vector<64x3xf32>
    %dot_general3A = arith.constant dense<0.000000e+00> : vector<64x32768xf32>
    %dot_general3A_6 = tpu.matmul %get3A_5, %concatenate3A, %dot_general3A {dimension_numbers = #tpu.dot_dimension_numbers<[1], [0], [0], [1], [0, 0, 1, 1], [], []>, transpose_lhs_hint = false} : vector<64x3xf32>, vector<3x32768xf32>, vector<64x32768xf32> -> vector<64x32768xf32>
    %max3A = arith.constant 0.000000e+00 : f32
    %max3A_7 = vector.broadcast %max3A : f32 to vector<64x32768xf32>
    %max3A_8 = arith.maximumf %dot_general3A_6, %max3A_7 : vector<64x32768xf32>
    %get3A_9 = arith.constant 0 : index
    %get3A_10 = arith.constant 0 : index
    %get3A_11 = arith.constant 0 : index
    %get3A_12 = vector.load %arg2[%get3A_9, %get3A_10, %get3A_11] : memref<1x1x32768xi32, #tpu.memory_space<vmem>>, vector<1x1x32768xi32>
    %get3A_13 = vector.shape_cast %get3A_12 : vector<1x1x32768xi32> to vector<1x32768xi32>
    %broadcast_in_dim3A_14 = vector.shape_cast %get3A_13 : vector<1x32768xi32> to vector<1x32768xi32>
    %broadcast_in_dim3A_15 = vector.broadcast %broadcast_in_dim3A_14 : vector<1x32768xi32> to vector<16x32768xi32>
    %iota3A = tpu.iota {dimensions = array<i32: 0>} : vector<16x32768xi32>
    %eq3A = arith.cmpi eq, %broadcast_in_dim3A_15, %iota3A : vector<16x32768xi32>
    %convert_element_type3A = arith.extui %eq3A : vector<16x32768xi1> to vector<16x32768xi32>
    %convert_element_type3A_16 = arith.sitofp %convert_element_type3A : vector<16x32768xi32> to vector<16x32768xf32>
    %dot_general3A_17 = arith.constant dense<0.000000e+00> : vector<16x64xf32>
    %dot_general3A_18 = tpu.matmul %convert_element_type3A_16, %max3A_8, %dot_general3A_17 {dimension_numbers = #tpu.dot_dimension_numbers<[1], [1], [0], [0], [0, 0, 1, 0], [], []>, transpose_lhs_hint = false} : vector<16x32768xf32>, vector<64x32768xf32>, vector<16x64xf32> -> vector<16x64xf32>
    %slice3A = vector.extract_strided_slice %get3A_1 {offsets = [1, 0], sizes = [1, 32768], strides = [1, 1]} : vector<2x32768xf32> to vector<1x32768xf32>
    %broadcast_in_dim3A_19 = vector.shape_cast %slice3A : vector<1x32768xf32> to vector<1x32768xf32>
    %broadcast_in_dim3A_20 = vector.broadcast %broadcast_in_dim3A_19 : vector<1x32768xf32> to vector<16x32768xf32>
    %jit3A = arith.constant 0xFF800000 : f32
    %broadcast_in_dim3A_21 = vector.broadcast %jit3A : f32 to vector<16x32768xf32>
    %select_n3A = arith.select %eq3A, %broadcast_in_dim3A_20, %broadcast_in_dim3A_21 : vector<16x32768xi1>, vector<16x32768xf32>
    %reduce_max3A = arith.constant dense<0xFF800000> : vector<16xf32>
    %reduce_max3A_22 = vector.multi_reduction <maximumf>, %select_n3A, %reduce_max3A [1] : vector<16x32768xf32> to vector<16xf32>
    %broadcast_in_dim3A_23 = vector.shape_cast %reduce_max3A_22 : vector<16xf32> to vector<16x1xf32>
    %eq3A_24 = arith.constant 0 : i32
    %eq3A_25 = arith.cmpi eq, %arg0, %eq3A_24 : i32
    %convert_element_type3A_26 = arith.extui %eq3A_25 : i1 to i32
    %cond3A = arith.constant 0 : i32
    %cond3A_27 = arith.cmpi ne, %convert_element_type3A_26, %cond3A : i32
    scf.if %cond3A_27 {
      %swap3A = arith.constant 0 : index
      %swap3A_37 = arith.constant 0 : index
      %swap3A_38 = vector.load %arg8[%swap3A, %swap3A_37] : memref<16x64xf32, #tpu.memory_space<vmem>>, vector<16x64xf32>
      tpu.vector_store %arg8[%swap3A, %swap3A_37], %dot_general3A_18 {strides = array<i32>} : memref<16x64xf32, #tpu.memory_space<vmem>>, vector<16x64xf32>,
      %swap3A_39 = arith.constant 0 : index
      %swap3A_40 = arith.constant 0 : index
      %swap3A_41 = vector.load %arg9[%swap3A_39, %swap3A_40] : memref<16x1xf32, #tpu.memory_space<vmem>>, vector<16x1xf32>
      tpu.vector_store %arg9[%swap3A_39, %swap3A_40], %broadcast_in_dim3A_23 {strides = array<i32>} : memref<16x1xf32, #tpu.memory_space<vmem>>, vector<16x1xf32>,
    } else {
    }
    %gt3A = arith.constant 0 : i32
    %gt3A_28 = arith.cmpi sgt, %arg0, %gt3A : i32
    %convert_element_type3A_29 = arith.extui %gt3A_28 : i1 to i32
    %cond3A_30 = arith.constant 0 : i32
    %cond3A_31 = arith.cmpi ne, %convert_element_type3A_29, %cond3A_30 : i32
    scf.if %cond3A_31 {
      %get3A_37 = arith.constant 0 : index
      %get3A_38 = arith.constant 0 : index
      %get3A_39 = vector.load %arg8[%get3A_37, %get3A_38] : memref<16x64xf32, #tpu.memory_space<vmem>>, vector<16x64xf32>
      %add3A = arith.addf %get3A_39, %dot_general3A_18 : vector<16x64xf32>
      %swap3A = arith.constant 0 : index
      %swap3A_40 = arith.constant 0 : index
      %swap3A_41 = vector.load %arg8[%swap3A, %swap3A_40] : memref<16x64xf32, #tpu.memory_space<vmem>>, vector<16x64xf32>
      tpu.vector_store %arg8[%swap3A, %swap3A_40], %add3A {strides = array<i32>} : memref<16x64xf32, #tpu.memory_space<vmem>>, vector<16x64xf32>,
      %get3A_42 = arith.constant 0 : index
      %get3A_43 = arith.constant 0 : index
      %get3A_44 = vector.load %arg9[%get3A_42, %get3A_43] : memref<16x1xf32, #tpu.memory_space<vmem>>, vector<16x1xf32>
      %max3A_45 = arith.maximumf %get3A_44, %broadcast_in_dim3A_23 : vector<16x1xf32>
      %swap3A_46 = arith.constant 0 : index
      %swap3A_47 = arith.constant 0 : index
      %swap3A_48 = vector.load %arg9[%swap3A_46, %swap3A_47] : memref<16x1xf32, #tpu.memory_space<vmem>>, vector<16x1xf32>
      tpu.vector_store %arg9[%swap3A_46, %swap3A_47], %max3A_45 {strides = array<i32>} : memref<16x1xf32, #tpu.memory_space<vmem>>, vector<16x1xf32>,
    } else {
    }
    %eq3A_32 = arith.constant 7 : i32
    %eq3A_33 = arith.cmpi eq, %arg0, %eq3A_32 : i32
    %convert_element_type3A_34 = arith.extui %eq3A_33 : i1 to i32
    %cond3A_35 = arith.constant 0 : i32
    %cond3A_36 = arith.cmpi ne, %convert_element_type3A_34, %cond3A_35 : i32
    scf.if %cond3A_36 {
      %get3A_37 = arith.constant 0 : index
      %get3A_38 = arith.constant 0 : index
      %get3A_39 = vector.load %arg8[%get3A_37, %get3A_38] : memref<16x64xf32, #tpu.memory_space<vmem>>, vector<16x64xf32>
      %get3A_40 = arith.constant 0 : index
      %get3A_41 = arith.constant 0 : index
      %get3A_42 = vector.load %arg4[%get3A_40, %get3A_41] : memref<16x1xf32, #tpu.memory_space<vmem>>, vector<16x1xf32>
      %get3A_43 = arith.constant 0 : index
      %get3A_44 = arith.constant 0 : index
      %get3A_45 = vector.load %arg9[%get3A_43, %get3A_44] : memref<16x1xf32, #tpu.memory_space<vmem>>, vector<16x1xf32>
      %get3A_46 = arith.constant 0 : index
      %get3A_47 = arith.constant 0 : index
      %get3A_48 = vector.load %arg5[%get3A_46, %get3A_47] : memref<66x10xf32, #tpu.memory_space<vmem>>, vector<64x10xf32>
      %dot_general3A_49 = arith.constant dense<0.000000e+00> : vector<16x10xf32>
      %dot_general3A_50 = tpu.matmul %get3A_39, %get3A_48, %dot_general3A_49 {dimension_numbers = #tpu.dot_dimension_numbers<[1], [0], [0], [1], [0, 0, 1, 1], [], []>, transpose_lhs_hint = false} : vector<16x64xf32>, vector<64x10xf32>, vector<16x10xf32> -> vector<16x10xf32>
      %get3A_51 = arith.constant 64 : index
      %get3A_52 = arith.constant 0 : index
      %get3A_53 = vector.load %arg5[%get3A_51, %get3A_52] : memref<66x10xf32, #tpu.memory_space<vmem>>, vector<1x10xf32>
      %mul3A = vector.broadcast %get3A_42 : vector<16x1xf32> to vector<16x10xf32>
      %mul3A_54 = vector.broadcast %get3A_53 : vector<1x10xf32> to vector<16x10xf32>
      %mul3A_55 = arith.mulf %mul3A, %mul3A_54 : vector<16x10xf32>
      %add3A = arith.addf %dot_general3A_50, %mul3A_55 : vector<16x10xf32>
      %get3A_56 = arith.constant 65 : index
      %get3A_57 = arith.constant 0 : index
      %get3A_58 = vector.load %arg5[%get3A_56, %get3A_57] : memref<66x10xf32, #tpu.memory_space<vmem>>, vector<1x10xf32>
      %mul3A_59 = vector.broadcast %get3A_45 : vector<16x1xf32> to vector<16x10xf32>
      %mul3A_60 = vector.broadcast %get3A_58 : vector<1x10xf32> to vector<16x10xf32>
      %mul3A_61 = arith.mulf %mul3A_59, %mul3A_60 : vector<16x10xf32>
      %add3A_62 = arith.addf %add3A, %mul3A_61 : vector<16x10xf32>
      %get3A_63 = arith.constant 0 : index
      %get3A_64 = arith.constant 0 : index
      %get3A_65 = vector.load %arg6[%get3A_63, %get3A_64] : memref<1x10xf32, #tpu.memory_space<vmem>>, vector<1x10xf32>
      %add3A_66 = vector.broadcast %get3A_65 : vector<1x10xf32> to vector<16x10xf32>
      %add3A_67 = arith.addf %add3A_62, %add3A_66 : vector<16x10xf32>
      %swap3A = arith.constant 0 : index
      %swap3A_68 = arith.constant 0 : index
      %swap3A_69 = vector.load %arg7[%swap3A, %swap3A_68] : memref<16x10xf32, #tpu.memory_space<vmem>>, vector<16x10xf32>
      tpu.vector_store %arg7[%swap3A, %swap3A_68], %add3A_67 {strides = array<i32>} : memref<16x10xf32, #tpu.memory_space<vmem>>, vector<16x10xf32>,
    } else {
    }
    return
  }
  func.func @transform_0(%arg0: i32) -> (i32, i32) {
    %c0_i32 = arith.constant 0 : i32
    %c0_i32_0 = arith.constant 0 : i32
    return %c0_i32, %arg0 : i32, i32
  }
  func.func @transform_1(%arg0: i32) -> (i32, i32, i32) {
    %c0_i32 = arith.constant 0 : i32
    %c0_i32_0 = arith.constant 0 : i32
    %c0_i32_1 = arith.constant 0 : i32
    return %arg0, %c0_i32, %c0_i32_0 : i32, i32, i32
  }
  func.func @transform_2(%arg0: i32) -> (i32, i32) {
    %c0_i32 = arith.constant 0 : i32
    %c0_i32_0 = arith.constant 0 : i32
    %c0_i32_1 = arith.constant 0 : i32
    return %c0_i32, %c0_i32_0 : i32, i32
  }
  func.func @transform_3(%arg0: i32) -> (i32, i32) {
    %c0_i32 = arith.constant 0 : i32
    %c0_i32_0 = arith.constant 0 : i32
    %c0_i32_1 = arith.constant 0 : i32
    return %c0_i32, %c0_i32_0 : i32, i32
  }
  func.func @transform_4(%arg0: i32) -> (i32, i32) {
    %c0_i32 = arith.constant 0 : i32
    %c0_i32_0 = arith.constant 0 : i32
    %c0_i32_1 = arith.constant 0 : i32
    return %c0_i32, %c0_i32_0 : i32, i32
  }
  func.func @transform_5(%arg0: i32) -> (i32, i32) {
    %c0_i32 = arith.constant 0 : i32
    %c0_i32_0 = arith.constant 0 : i32
    %c0_i32_1 = arith.constant 0 : i32
    return %c0_i32, %c0_i32_0 : i32, i32
  }
  func.func @transform_6(%arg0: i32) -> (i32, i32) {
    %c0_i32 = arith.constant 0 : i32
    %c0_i32_0 = arith.constant 0 : i32
    %c0_i32_1 = arith.constant 0 : i32
    return %c0_i32, %c0_i32_0 : i32, i32
  }
}

</mosaic_0001>

<sc_bundles>
// kernel: kernel.5.cloned.1.call-start
scs
__scs_entry_jumppad:
0x0: {  	(pc) =	sbr.rel $0x88, $3  }
0x1: {  	(tag) =	ssettag $0x0;
	lr =	simm.s32 $0x1  }
0x2: {  	[smem:$0x3F97] =	sst lr;
	_ =	strace $0xD0000000  }
0x3: {  	_ = 	snop  }
0x4: {  	_ = 	snop  }
0x5: {  	_ = 	snop  }
0x6: {  	_ = 	snop  }
0x7: {  	_ = 	snop  }
__scs_overlays_trampoline_lowered:
0x8: {  	[smem:$0x3FA6] =	sst s0  }
0x9: {  	[smem:$0x3FA7] =	sst s1  }
0xa: {  	[smem:$0x3FA8] =	sst s2  }
0xb: {  	[smem:$0x3FA9] =	sst s3  }
0xc: {  	[smem:$0x3FAA] =	sst s4  }
0xd: {  	[smem:$0x3FAB] =	sst s5  }
0xe: {  	[smem:$0x3FAC] =	sst s6  }
0xf: {  	[smem:$0x3FAD] =	sst s7  }
0x10: {  	[smem:$0x3FAE] =	sst s8  }
0x11: {  	[smem:$0x3FAF] =	sst s9;
	s0 =	simm.s32 @!p0 $0x0  }
0x12: {  	s1 =	sld [smem:$0x3F95];
	s0 =	simm.s32 @p0 $0x1  }
0x13: {  	[smem:$0x3FB0] =	sst s0;
	s0 =	simm.s32 @!p1 $0x0  }
0x14: {  	s2 =	sld [smem:$0x3F94];
	s0 =	simm.s32 @p1 $0x1  }
0x15: {  	[smem:$0x3FB1] =	sst s0;
	s0 =	simm.s32 @!p2 $0x0  }
0x16: {  	s3 =	sld [smem:$0x3FDB];
	s0 =	simm.s32 @p2 $0x1  }
0x17: {  	s4 =	simm.s32 $0x1BF5;
	[smem:$0x3FB3] =	sst s0  }
0x18: {  	s0 =	sld [smem:$0x3F96];
	_ =	swait.ge [sflag:s4], $0x0  }
0x19: {  	s7 =	sld [smem:$0x3F97]  }
0x1a: {  	s8 =	sadd.s32 $0xFFFFE003, lr  }
0x1b: {  	s9 =	sadd.s32 $0xFFFFFEF7, lr;
	s5 =	simm.s32 $0xFFFFFFFF;
	p2 =	slt.u32 s8, $0xFFFFF086  }
0x1c: {  	p1 =	slt.u32 s9, $0xF7A;
	s5 =	simm.s32 @!p2 $0x0  }
0x1d: {  	s5 =	simm.s32 @p1 $0x1;
	p0 =	seq.s32 s7, s2  }
0x1e: {  	s7 =	smul.u32 @!p0 $0xF7A, s2;
	p2 =	seq.s32 @!p0 s5, $0x0  }
0x1f: {  	s9 =	smul.u32 $0xF7A, s1;
	s8 =	simm.s32 @!p0 $0x1BF5;
	p2 =	por !p2, p0  }
0x20: {  	[sflag:s8] =	ssyncset.s32 @!p0 $0xFFFFF086;
	s6 =	sadd.s32 @!p0 s3, s7;
	s7 =	simm.s32 @!p0 $0x108  }
0x21: {  	s3 =	sadd.s32 s3, s9;
	s6 =	sadd.s32 @!p0 $0x88, s6;
	s7 =	simm.s32 @p2 $0x1082  }
0x22: {  	[simem:s7], [sflag:s8] =	dma.local @!p0 [hbm:s6], $0xF7A  }
0x23: {  	s9 =	sor.u32 $0xD0000000, s2;
	s6 =	simm.s32 $0x108;
	_ =	swait.ge @!p0 [sflag:s8], $0x0  }
0x24: {  	s3 =	sadd.s32 $0x88, s3;
	s6 =	simm.s32 @!p1 $0x1082;
	[sflag:s4] =	ssyncset.s32 $0xFFFFF086  }
0x25: {  	[simem:s6], [sflag:s4] =	dma.local [hbm:s3], $0xF7A  }
0x26: {  	[smem:$0x3F97] =	sst s1;
	(tag) =	ssettag s2;
	_ =	strace s9  }
0x27: {  	s1 =	sld [smem:$0x3FA7]  }
0x28: {  	s2 =	sld [smem:$0x3FA8]  }
0x29: {  	s4 =	sld [smem:$0x3FAA]  }
0x2a: {  	p0 =	seq.s32 s5, $0x0;
	s5 =	sld [smem:$0x3FAB]  }
0x2b: {  	s6 =	sld [smem:$0x3FAC]  }
0x2c: {  	s7 =	sld [smem:$0x3FAD]  }
0x2d: {  	s3 =	simm.s32 $0x108;
	s8 =	sld [smem:$0x3FAE]  }
0x2e: {  	s3 =	simm.s32 @!p0 $0x1082;
	s9 =	sld [smem:$0x3FAF]  }
0x2f: {  	lr =	sadd.s32 s0, s3;
	s0 =	sld [smem:$0x3FA6]  }
0x30: {  	s3 =	sld [smem:$0x3FA9]  }
0x31: {  	[smem:$0x3FB2] =	sst s10  }
0x32: {  	s10 =	sld [smem:$0x3FB0];
	_ =	sdelay $0x3  }
0x33: {  	p0 =	seq.s32 s10, $0x1;
	s10 =	sld [smem:$0x3FB2];
	_ =	sdelay $0x3  }
0x34: {  	[smem:$0x3FB2] =	sst s10  }
0x35: {  	s10 =	sld [smem:$0x3FB1];
	_ =	sdelay $0x3  }
0x36: {  	p1 =	seq.s32 s10, $0x1;
	s10 =	sld [smem:$0x3FB2];
	_ =	sdelay $0x3  }
0x37: {  	[smem:$0x3FB2] =	sst s10  }
0x38: {  	s10 =	sld [smem:$0x3FB3]  }
0x39: {  	_ = 	snop;
	(pc) =	sbr.ind lr, $3  }
0x3a: {  	_ = 	snop  }
0x3b: {  	_ = 	snop  }
0x3c: {  	p2 =	seq.s32 s10, $0x1;
	s10 =	sld [smem:$0x3FB2]  }
0x3d: {  	_ =	shalt  }
0x3e: {  	_ =	shalt  }
0x3f: {  	_ =	shalt  }
0x40: {  	_ =	shalt  }
0x41: {  	_ =	shalt  }
0x42: {  	_ =	shalt  }
0x43: {  	_ =	shalt  }
0x44: {  	_ =	shalt  }
0x45: {  	_ =	shalt  }
0x46: {  	_ =	shalt  }
0x47: {  	_ =	shalt  }
0x48: {  	_ =	shalt  }
0x49: {  	_ =	shalt  }
0x4a: {  	_ =	shalt  }
0x4b: {  	_ =	shalt  }
0x4c: {  	_ =	shalt  }
0x4d: {  	_ =	shalt  }
0x4e: {  	_ =	shalt  }
0x4f: {  	_ =	shalt  }
0x50: {  	_ =	shalt  }
0x51: {  	_ =	shalt  }
0x52: {  	_ =	shalt  }
0x53: {  	_ =	shalt  }
0x54: {  	_ =	shalt  }
0x55: {  	_ =	shalt  }
0x56: {  	_ =	shalt  }
0x57: {  	_ =	shalt  }
0x58: {  	_ =	shalt  }
0x59: {  	_ =	shalt  }
0x5a: {  	_ =	shalt  }
0x5b: {  	_ =	shalt  }
0x5c: {  	_ =	shalt  }
0x5d: {  	_ =	shalt  }
0x5e: {  	_ =	shalt  }
0x5f: {  	_ =	shalt  }
0x60: {  	_ =	shalt  }
0x61: {  	_ =	shalt  }
0x62: {  	_ =	shalt  }
0x63: {  	_ =	shalt  }
0x64: {  	_ =	shalt  }
0x65: {  	_ =	shalt  }
0x66: {  	_ =	shalt  }
0x67: {  	_ =	shalt  }
0x68: {  	_ =	shalt  }
0x69: {  	_ =	shalt  }
0x6a: {  	_ =	shalt  }
0x6b: {  	_ =	shalt  }
0x6c: {  	_ =	shalt  }
0x6d: {  	_ =	shalt  }
0x6e: {  	_ =	shalt  }
0x6f: {  	_ =	shalt  }
0x70: {  	_ =	shalt  }
0x71: {  	_ =	shalt  }
0x72: {  	_ =	shalt  }
0x73: {  	_ =	shalt  }
0x74: {  	_ =	shalt  }
0x75: {  	_ =	shalt  }
0x76: {  	_ =	shalt  }
0x77: {  	_ =	shalt  }
0x78: {  	_ =	shalt  }
0x79: {  	_ =	shalt  }
0x7a: {  	_ =	shalt  }
0x7b: {  	_ =	shalt  }
0x7c: {  	_ =	shalt  }
0x7d: {  	_ =	shalt  }
0x7e: {  	_ =	shalt  }
0x7f: {  	_ =	shalt  }
0x80: {  	_ =	shalt  }
0x81: {  	_ =	shalt  }
0x82: {  	_ =	shalt  }
0x83: {  	_ =	shalt  }
0x84: {  	_ =	shalt  }
0x85: {  	_ =	shalt  }
0x86: {  	_ =	shalt  }
0x87: {  	_ =	shalt  }
.Lfunc_end0:
.L_simem_size_0:
called_computation_lowered:
.L_overlay_start_0:
0x88: {  	s2 =	sld [smem:$0x3FD9]  }
0x89: {  	s3 =	sld [smem:$0x3FFE];
	_ =	sdelay $0x1  }
0x8a: {  	s1 =	srdreg.scid  }
0x8b: {  	s0 =	sand.u32 $0x1, s1  }
0x8c: {  	s17 =	sshll.u32 s0, $0xA;
	s2 =	sadd.s32 s3, s2  }
0x8d: {  	s2 =	sadd.s32 s2, s17  }
0x8e: {  	[smem:$0x3FBE] =	sst s2  }
0x8f: {  	_ = 	snop  }
0x90: {  	s2 =	sld [smem:$0x3FC7];
	(tm) =	ssettm $0x1  }
0x91: {  	s18 =	sld [smem:$0x3FFB];
	_ =	sdelay $0x3  }
0x92: {  	_ =	strace s18  }
0x93: {  	s3 =	sld [smem:$0x3FFC];
	_ =	sdelay $0x3  }
0x94: {  	_ =	strace s3  }
0x95: {  	s3 =	sld [smem:$0x3FFD];
	_ =	sdelay $0x3  }
0x96: {  	_ =	strace s3  }
0x97: {  	_ =	strace $0x8FFFFFFF  }
0x98: {  	s19 =	sld [smem:$0x3FDB];
	_ =	sdelay $0x1  }
0x99: {  	s4 =	simm.s32 $_scs_section_size  }
0x9a: {  	s5 =	simm.s32 $_size__tile_overlayer_lowered;
	s6 =	simm.s32 $_tile_overlayer_lowered  }
0x9b: {  	s22 =	simm.s32 $0x1BFF;
	s21 =	sshll.u32 s6, $0x1;
	s3 =	sadd.s32 s4, s19  }
0x9c: {  	s7 =	simm.s32 $0x0;
	s20 =	sshll.u32 s5, $0x1;
	s5 =	sadd.s32 s21, s3  }
0x9d: {  	[timem:s7], [sflag:s22] =	dma.local [hbm:s5], s20  }
0x9e: {  	_ =	swait.ge [sflag:s22], s20  }
0x9f: {  	s4 =	ssub.s32 $0x0, s20;
	[sflag:s22] =	ssyncset.done $0x0  }
0xa0: {  	[sflag:s22] =	ssyncadd.s32 s4;
	_ =	sdelay $0x1  }
0xa1: {  	s23 =	simm.s32 $0x1B8B  }
0xa2: {  	_ =	swait.ge [sflag:s23], $0x1  }
0xa3: {  	[sflag:s23] =	ssyncset.done $0x0  }
0xa4: {  	s25 =	simm.s32 $0x1B8E;
	s24 =	sld [smem:$0x3FFE];
	[sflag:s23] =	ssyncadd.s32 $0xFFFFFFFF  }
0xa5: {  	s26 =	simm.s32 $execute0_lowered;
	[smem:$0x3FD2] =	sst s25  }
0xa6: {  	s5 =	sshll.u32 s26, $0x1;
	_ =	strace $0x80000046;
	[dreg:$0x1] =	wrdreg $0xFFFFFFFF  }
0xa7: {  	s28 =	simm.s32 $_size_execute0_lowered;
	s3 =	sadd.s32 s3, s5;
	[dreg:$0x0] =	wrdreg $0x0  }
0xa8: {  	s5 =	sshll.u32 s28, $0x1;
	[dreg:$0x2] =	wrdreg s3  }
0xa9: {  	[dreg:$0x3] =	wrdreg s5  }
0xaa: {  	[dreg:$0x4] =	wrdreg $0xC0  }
0xab: {  	_ =	task [dreg:s7], $0x5FFFF  }
0xac: {  	[dreg:$0x1] =	wrdreg $0xFFFFFFFF  }
0xad: {  	[dreg:$0x0] =	wrdreg $0x60  }
0xae: {  	[dreg:$0x2] =	wrdreg s24  }
0xaf: {  	[dreg:$0x3] =	wrdreg s2  }
0xb0: {  	[dreg:$0x4] =	wrdreg $0x9  }
0xb1: {  	_ =	task.clear_ibuf [dreg:s7], $0x5FFFF;
	_ =	strace $0x90000046  }
0xb2: {  	s29 =	simm.s32 $0x9;
	_ =	strace $0x80000048  }
0xb3: {  	_ =	swait.ge [sflag:s29], $0x1  }
0xb4: {  	[sflag:s29] =	ssyncadd.s32 $0xFFFFFFFF  }
0xb5: {  	_ =	strace $0x90000048  }
0xb6: {  	_ =	sfence  }
0xb7: {  	s30 =	sld [smem:$0x0];
	_ =	sdelay $0x2  }
0xb8: {  	s31 =	sshll.u32 s1, $0xD;
	s1 =	sshrl.u32 s1, $0x2  }
0xb9: {  	s3 =	sand.u32 $0x4000, s31;
	s1 =	sadd.s32 s1, s30  }
0xba: {  	s0 =	sor.u32 s3, s0;
	s1 =	sshll.u32 s1, $0x11  }
0xbb: {  	s0 =	sor.u32 s1, s0  }
0xbc: {  	s0 =	sadd.s32 $0x8F2B, s0  }
0xbd: {  	[sflag:s0] =	ssyncadd.remote.s32 $0x1  }
0xbe: {  	_ =	sfence.sel $0xFFFF  }
0xbf: {  	[dreg:$0x0] =	wrdreg $0xFFFFFFFF;
	(pc) =	sbr.abs _section_cstart, $3  }
0xc0: {  	[dreg:$0x1] =	wrdreg $0xFFFFFFFF  }
0xc1: {  	_ =	task.clear_ibuf [dreg:s7], $0x2FFFF;
	_ =	strace $0x9FFFFFFF  }
0xc2: {  	(tm) =	ssettm $0x7FFFFFFF  }
0xc3: {  	_ =	shalt  }
tec
execute0_lowered:
.L_overlay_start_1:
0x0: {  	(tag) =	ssettag $0x1  }
0x1: {  	s4 =	rddreg [dreg:$0x0]  }
0x2: {  	s5 =	rddreg [dreg:$0x1]  }
0x3: {  	s0 =	rddreg [dreg:$0x2]  }
0x4: {  	s2 =	simm.s32 $0x0;
	s3 =	srdreg.scid;
	s1 =	stileid.u32  }
0x5: {  	s11 =	simm.s32 $0x8000;
	s12 =	simm.s32 $0xA000;
	s13 =	simm.s32 $0x1  }
0x6: {  	s14 =	simm.s32 $0x2;
	s15 =	simm.s32 $0x3;
	s16 =	simm.s32 $0xC000  }
0x7: {  	s17 =	simm.s32 $0xE000;
	s18 =	simm.s32 $0x0;
	[smem:$0x7FF] =	sst s2  }
0x8: {  	s3 =	sand.u32 $0x1, s3;
	s7 =	sshll.u32 s1, $0xC;
	s31 =	sadd.s32 $0x2A00, s4  }
0x9: {  	_ =	strace $0x80000047;
	s6 =	ssub.s32 $0x2, s3;
	s8 =	sshll.u32 s3, $0xB  }
0xa: {  	s3 =	sadd.s32 $0x1A00, s4;
	s9 =	sshrl.u32 s6, $0x1;
	s7 =	sor.u32 s8, s7  }
0xb: {  	s9 =	ssub.s32 s6, s9;
	s10 =	sor.u32 $0x10, s7;
	s4 =	sadd.s32 s5, s7  }
0xc: {  	s6 =	sadd.s32 s31, s7;
	s5 =	sadd.s32 s5, s10;
	s7 =	sadd.s32 s31, s10  }
0xd: {  	s8 =	smax.u32 s9, $0x1;
	s9 =	simm.s32 $0x80;
	s10 =	simm.s32 $0x100  }
.LBB2_1:
0xe: {  	[tilespmem:s2], [sflag:$0x1] =	stream.linear.gather [hbm4b:s3+s2], $0x8000, $0x38;
	[tilespmem:$0x10000] =	vst v63  }
0xf: {  	_ = 	snop  }
0x10: {  	[tilespmem:s11], [sflag:$0x2] =	stream.strided.gather [hbm4b:s4+s9], $0x2000, s10, s9, $0x38;
	[tilespmem:$0x10000] =	vst v63  }
0x11: {  	_ = 	snop  }
0x12: {  	[tilespmem:s12], [sflag:$0x3] =	stream.strided.gather [hbm4b:s5+s9], $0x2000, s10, s9, $0x38;
	[tilespmem:$0x10000] =	vst v63  }
0x13: {  	_ =	swait.ge [sflag:s13], $0x8000  }
0x14: {  	[sflag:s13] =	ssyncset.done $0x0  }
0x15: {  	[sflag:s13] =	ssyncadd.s32 $0xFFFF8000  }
0x16: {  	_ =	swait.ge [sflag:s14], $0x2000  }
0x17: {  	[sflag:s14] =	ssyncset.done $0x0  }
0x18: {  	[sflag:s14] =	ssyncadd.s32 $0xFFFFE000  }
0x19: {  	_ =	swait.ge [sflag:s15], $0x2000  }
0x1a: {  	[sflag:s15] =	ssyncset.done $0x0  }
0x1b: {  	s20 =	simm.s32 $0x8040;
	[sflag:s15] =	ssyncadd.s32 $0xFFFFE000  }
0x1c: {  	s19 =	simm.s32 $0xA040;
	v0 =	vld [tilespmem:s20+$0x30]  }
0x1d: {  	v1 =	vld [tilespmem:s19+$0x30]  }
0x1e: {  	v2 =	vld [tilespmem:s19+$0xFFFFFFC0]  }
0x1f: {  	v3 =	vld [tilespmem:s20+$0xFFFFFFD0]  }
0x20: {  	v4 =	vld [tilespmem:s19+$0xFFFFFFD0]  }
0x21: {  	v5 =	vld [tilespmem:s20+$0xFFFFFFE0]  }
0x22: {  	v6 =	vld [tilespmem:s19+$0xFFFFFFE0]  }
0x23: {  	v7 =	vld [tilespmem:s20+$0xFFFFFFF0]  }
0x24: {  	v8 =	vld [tilespmem:s19+$0xFFFFFFF0]  }
0x25: {  	v9 =	vld [tilespmem:s20+$0x0]  }
0x26: {  	v10 =	vld [tilespmem:s19+$0x0]  }
0x27: {  	v11 =	vld [tilespmem:s20+$0x10]  }
0x28: {  	v12 =	vld [tilespmem:s19+$0x10]  }
0x29: {  	v13 =	vld [tilespmem:s20+$0x20]  }
0x2a: {  	v14 =	vld [tilespmem:s19+$0x20]  }
0x2b: {  	v15 =	vld [tilespmem:s20+$0xFFFFFFC0]  }
0x2c: {  	v0 =	vld.idx.msk [tilespmem:v0+s2+$0x0], $0xffff  }
0x2d: {  	v1 =	vld.idx.msk [tilespmem:v1+s2+$0x0], $0xffff  }
0x2e: {  	v16 =	vld.idx.msk [tilespmem:v2+s2+$0x0], $0xffff  }
0x2f: {  	v2 =	vld.idx.msk [tilespmem:v3+s2+$0x0], $0xffff  }
0x30: {  	v3 =	vld.idx.msk [tilespmem:v4+s2+$0x0], $0xffff  }
0x31: {  	v4 =	vld.idx.msk [tilespmem:v5+s2+$0x0], $0xffff  }
0x32: {  	v5 =	vld.idx.msk [tilespmem:v6+s2+$0x0], $0xffff  }
0x33: {  	v6 =	vld.idx.msk [tilespmem:v7+s2+$0x0], $0xffff  }
0x34: {  	s20 =	simm.s32 $0xC040;
	v8 =	vld.idx.msk [tilespmem:v8+s2+$0x0], $0xffff;
	v7 =	vmin.f32 v0, v1;
	v0 =	vmax.f32 v0, v1  }
0x35: {  	v1 =	vmin.f32 v2, v3;
	v2 =	vmax.f32 v2, v3;
	v3 =	vld.idx.msk [tilespmem:v10+s2+$0x0], $0xffff;
	[tilespmem:s20+$0x30] =	vst v7  }
0x36: {  	s21 =	simm.s32 $0xE040;
	v7 =	vld.idx.msk [tilespmem:v15+s2+$0x0], $0xffff;
	[tilespmem:s20+$0xFFFFFFD0] =	vst v1  }
0x37: {  	v1 =	vld.idx.msk [tilespmem:v11+s2+$0x0], $0xffff;
	[tilespmem:s21+$0x30] =	vst v0  }
0x38: {  	v0 =	vld.idx.msk [tilespmem:v9+s2+$0x0], $0xffff;
	[tilespmem:s21+$0xFFFFFFD0] =	vst v2;
	v2 =	vmin.f32 v4, v5  }
0x39: {  	v5 =	vmax.f32 v4, v5;
	v4 =	vld.idx.msk [tilespmem:v12+s2+$0x0], $0xffff;
	[tilespmem:s20+$0xFFFFFFE0] =	vst v2  }
0x3a: {  	v2 =	vld.idx.msk [tilespmem:v13+s2+$0x0], $0xffff;
	[tilespmem:s21+$0xFFFFFFE0] =	vst v5;
	v5 =	vmin.f32 v6, v8;
	v6 =	vmax.f32 v6, v8  }
0x3b: {  	s22 =	simm.s32 $0x0;
	s23 =	simm.s32 $0x80C0;
	[tilespmem:s20+$0xFFFFFFF0] =	vst v5;
	v5 =	vld.idx.msk [tilespmem:v14+s2+$0x0], $0xffff;
	v8 =	vmin.f32 v7, v16;
	v7 =	vmax.f32 v7, v16  }
.LBB2_2:
0x3c: {  	v9 =	vld [tilespmem:s23+$0x30];
	[tilespmem:s20+$0xFFFFFFC0] =	vst v8;
	s19 =	sadd.s32 $0x80, s19  }
0x3d: {  	v8 =	vld [tilespmem:s19+$0x30];
	[tilespmem:s21+$0xFFFFFFC0] =	vst v7;
	v7 =	vmin.f32 v0, v3;
	v0 =	vmax.f32 v0, v3  }
0x3e: {  	s22 =	sadd.s32 $0x8, s22;
	v3 =	vld [tilespmem:s19+$0xFFFFFFC0];
	[tilespmem:s21+$0xFFFFFFF0] =	vst v6  }
0x3f: {  	p0 =	slt.u32 s22, $0x1F8;
	v6 =	vld [tilespmem:s23+$0xFFFFFFD0];
	[tilespmem:s20+$0x0] =	vst v7;
	v7 =	vmin.f32 v1, v4;
	v1 =	vmax.f32 v1, v4  }
0x40: {  	v4 =	vld [tilespmem:s19+$0xFFFFFFD0];
	[tilespmem:s21+$0x0] =	vst v0  }
0x41: {  	v0 =	vld [tilespmem:s23+$0xFFFFFFE0];
	[tilespmem:s20+$0x10] =	vst v7;
	v7 =	vmin.f32 v2, v5;
	v2 =	vmax.f32 v2, v5  }
0x42: {  	v5 =	vld [tilespmem:s19+$0xFFFFFFE0];
	[tilespmem:s21+$0x10] =	vst v1  }
0x43: {  	v1 =	vld [tilespmem:s23+$0xFFFFFFF0];
	[tilespmem:s20+$0x20] =	vst v7  }
0x44: {  	v7 =	vld.idx.msk [tilespmem:v9+s2+$0x0], $0xffff;
	[tilespmem:s21+$0x20] =	vst v2  }
0x45: {  	v2 =	vld.idx.msk [tilespmem:v8+s2+$0x0], $0xffff  }
0x46: {  	v8 =	vld [tilespmem:s19+$0xFFFFFFF0]  }
0x47: {  	v9 =	vld [tilespmem:s23+$0x0]  }
0x48: {  	v10 =	vld [tilespmem:s19+$0x0]  }
0x49: {  	v11 =	vld [tilespmem:s23+$0x10]  }
0x4a: {  	v12 =	vld [tilespmem:s19+$0x10]  }
0x4b: {  	s20 =	sadd.s32 $0x80, s20;
	v14 =	vmin.f32 v7, v2;
	v13 =	vld [tilespmem:s23+$0x20]  }
0x4c: {  	s21 =	sadd.s32 $0x80, s21;
	v2 =	vmax.f32 v7, v2;
	v15 =	vld [tilespmem:s19+$0x20];
	[tilespmem:s20+$0x30] =	vst v14  }
0x4d: {  	v7 =	vld [tilespmem:s23+$0xFFFFFFC0];
	[tilespmem:s21+$0x30] =	vst v2  }
0x4e: {  	v14 =	vld.idx.msk [tilespmem:v3+s2+$0x0], $0xffff  }
0x4f: {  	v2 =	vld.idx.msk [tilespmem:v6+s2+$0x0], $0xffff  }
0x50: {  	v3 =	vld.idx.msk [tilespmem:v4+s2+$0x0], $0xffff  }
0x51: {  	v4 =	vld.idx.msk [tilespmem:v0+s2+$0x0], $0xffff  }
0x52: {  	v5 =	vld.idx.msk [tilespmem:v5+s2+$0x0], $0xffff  }
0x53: {  	v6 =	vld.idx.msk [tilespmem:v1+s2+$0x0], $0xffff  }
0x54: {  	v8 =	vld.idx.msk [tilespmem:v8+s2+$0x0], $0xffff  }
0x55: {  	v7 =	vld.idx.msk [tilespmem:v7+s2+$0x0], $0xffff  }
0x56: {  	v1 =	vmin.f32 v2, v3;
	v2 =	vmax.f32 v2, v3;
	v0 =	vld.idx.msk [tilespmem:v9+s2+$0x0], $0xffff  }
.Ltmp0:
0x57: {  	[tilespmem:s20+$0xFFFFFFD0] =	vst v1;
	v3 =	vld.idx.msk [tilespmem:v10+s2+$0x0], $0xffff;
	(pc) =	sbr.rel @p0 .LBB2_2-.Ltmp0, $4  }
0x58: {  	[tilespmem:s21+$0xFFFFFFD0] =	vst v2;
	v2 =	vmin.f32 v4, v5;
	v5 =	vmax.f32 v4, v5;
	v1 =	vld.idx.msk [tilespmem:v11+s2+$0x0], $0xffff  }
0x59: {  	[tilespmem:s20+$0xFFFFFFE0] =	vst v2;
	v4 =	vld.idx.msk [tilespmem:v12+s2+$0x0], $0xffff  }
0x5a: {  	[tilespmem:s21+$0xFFFFFFE0] =	vst v5;
	v5 =	vmin.f32 v6, v8;
	v6 =	vmax.f32 v6, v8;
	v2 =	vld.idx.msk [tilespmem:v13+s2+$0x0], $0xffff  }
0x5b: {  	s23 =	sadd.s32 $0x80, s23;
	v8 =	vmin.f32 v7, v14;
	v7 =	vmax.f32 v7, v14;
	[tilespmem:s20+$0xFFFFFFF0] =	vst v5;
	v5 =	vld.idx.msk [tilespmem:v15+s2+$0x0], $0xffff  }
0x5c: {  	[tilespmem:s20+$0xFFFFFFC0] =	vst v8  }
0x5d: {  	[tilespmem:s21+$0xFFFFFFF0] =	vst v6  }
0x5e: {  	v58 =	vmin.f32 v0, v3;
	[tilespmem:s21+$0xFFFFFFC0] =	vst v7  }
0x5f: {  	v59 =	vmax.f32 v0, v3;
	[tilespmem:s20+$0x0] =	vst v58  }
0x60: {  	v60 =	vmin.f32 v1, v4;
	[tilespmem:s21+$0x0] =	vst v59  }
0x61: {  	v61 =	vmax.f32 v1, v4;
	[tilespmem:s20+$0x10] =	vst v60  }
0x62: {  	v62 =	vmin.f32 v2, v5;
	[tilespmem:s21+$0x10] =	vst v61  }
0x63: {  	v63 =	vmax.f32 v2, v5;
	[tilespmem:s20+$0x20] =	vst v62  }
0x64: {  	[tilespmem:s21+$0x20] =	vst v63  }
0x65: {  	[hbm4b:s6+s9] =	stream.strided.scatter [tilespmem:s16], [sflag:$0x2], $0x2000, s10, s9, $0x38;
	[tilespmem:$0x10000] =	vst v63  }
0x66: {  	s18 =	sadd.s32 $0x1, s18  }
0x67: {  	[hbm4b:s7+s9] =	stream.strided.scatter [tilespmem:s17], [sflag:$0x3], $0x2000, s10, s9, $0x38;
	[tilespmem:$0x10000] =	vst v63  }
0x68: {  	p0 =	sne.s32 s18, s8;
	_ =	swait.ge [sflag:s14], $0x2000  }
.Ltmp1:
0x69: {  	[sflag:s14] =	ssyncset.done $0x0;
	(pc) =	sbr.rel @p0 .LBB2_1-.Ltmp1, $4  }
0x6a: {  	[sflag:s14] =	ssyncadd.s32 $0xFFFFE000  }
0x6b: {  	_ =	swait.ge [sflag:s15], $0x2000  }
0x6c: {  	[sflag:s15] =	ssyncset.done $0x0  }
0x6d: {  	[sflag:s15] =	ssyncadd.s32 $0xFFFFE000  }
0x6e: {  	_ =	sfence.sel $0x180000  }
0x6f: {  	[bflag:$0x0] =	sbarrier.arrive $0xFFFF  }
0x70: {  	p0 =	sne.s32 s1, $0x0;
	_ =	strace $0x90000047  }
0x71: {  	s0 =	sadd.s32 @!p0 $0x100000, s0;
	[bflag:$0x2] =	sbarrier.arrive $0xFFFF  }
0x72: {  	[sflag:s0] =	ssyncadd.tile.s32 @!p0 $0x1;
	_ =	shalt  }
.Lfunc_end2:
_tile_overlayer_lowered:
.L_overlay_start_2:
0x73: {  	(tag) =	ssettag $0x2  }
0x74: {  	s0 =	rddreg [dreg:$0x0];
	s2 =	stileid.u32  }
0x75: {  	s1 =	rddreg [dreg:$0x1];
	p0 =	sne.s32 s2, $0x0  }
0x76: {  	s3 =	rddreg [dreg:$0x2];
	[bflag:$0x3] =	sbarrier.arrive $0xFFFF;
	s2 =	simm.s32 @!p0 $0x1C04  }
0x77: {  	[timem:s3], [sflag:s2] =	dma.local @!p0 [hbm:s0], s1  }
0x78: {  	s0 =	simm.s32 @!p0 $0x4  }
0x79: {  	_ =	swait.ge @!p0 [sflag:s0], s1  }
0x7a: {  	s1 =	ssub.s32 @!p0 $0x0, s1;
	[sflag:s0] =	ssyncset.done @!p0 $0x0  }
0x7b: {  	[sflag:s0] =	ssyncadd.s32 @!p0 s1  }
0x7c: {  	[bflag:$0x3] =	sbarrier.arrive $0xFFFF  }
0x7d: {  	_ =	shalt  }

</sc_bundles>
